<compile_context>
chip_gen: v7x
topology: tpu7x:2x2x1
jax: 0.10.2.dev20260603
libtpu: 0.0.44.dev20260713+nightly
codegen_flags: <defaults>
</compile_context>

<pallas_src>
import functools

import jax
import jax.numpy as jnp
from jax import lax
from jax.experimental import pallas as pl
from jax.experimental.pallas import tpu as pltpu
from jax.experimental.pallas import tpu_sc as plsc

B = 16384
D = 128
VOCAB = 26

_info = plsc.get_sparse_core_info()
_NC, _NS = _info.num_cores, _info.num_subcores
_NW = _NC * _NS
_BPW = B // _NW
_CH = 128
_NCH = _BPW // _CH

_mesh = plsc.VectorSubcoreMesh(core_axis_name="c", subcore_axis_name="s")


@functools.partial(
    pl.kernel,
    out_type=jax.ShapeDtypeStruct((B, 2 * D), jnp.float32),
    mesh=_mesh,
    scratch_types=[
        pltpu.VMEM_SHARED((VOCAB, D), jnp.float32),
        pltpu.VMEM((_NCH, _CH), jnp.int32),
        pltpu.VMEM((_BPW, D), jnp.float32),
        pltpu.SemaphoreType.DMA,
        pltpu.SemaphoreType.DMA,
        pltpu.SemaphoreType.DMA,
    ],
)
def _gather_sc(loc_hbm, table_hbm, out_hbm, table_s, idx_v, emb_v,
               isem, gsem, esem):
    sid = lax.axis_index("s")
    wid = sid * _NC + lax.axis_index("c")
    base = wid * _BPW

    @pl.when(sid == 0)
    def _stage_table():
        pltpu.async_copy(table_hbm, table_s, gsem).wait()

    idx_copies = [
        pltpu.async_copy(loc_hbm.at[pl.ds(base + j * _CH, _CH)],
                         idx_v.at[j], isem)
        for j in range(_NCH)
    ]
    for c in idx_copies:
        c.wait()
    plsc.subcore_barrier()

    gathers = [
        pltpu.async_copy(table_s.at[idx_v.at[j]],
                         emb_v.at[pl.ds(j * _CH, _CH)], gsem)
        for j in range(_NCH)
    ]
    ewrites = []
    for j in range(_NCH):
        gathers[j].wait()
        ewrites.append(pltpu.async_copy(
            emb_v.at[pl.ds(j * _CH, _CH)],
            out_hbm.at[pl.ds(base + j * _CH, _CH), pl.ds(0, D)], esem))
    for w in ewrites:
        w.wait()


_CB = 8192


def _fill_body(_, x_ref, out_ref):
    out_ref[...] = x_ref[...]


_fill_tc = pl.pallas_call(
    _fill_body,
    grid=(B // _CB,),
    in_specs=[
        pl.BlockSpec(memory_space=pl.ANY),
        pl.BlockSpec((_CB, D), lambda i: (i, 0)),
    ],
    out_specs=pl.BlockSpec((_CB, D), lambda i: (i, 1)),
    out_shape=jax.ShapeDtypeStruct((B, 2 * D), jnp.float32),
    input_output_aliases={0: 0},
)


def kernel(loc, x, embedding_table):
    out0 = _gather_sc(loc.astype(jnp.int32), embedding_table)
    return _fill_tc(out0, x)

# --- scband reference (transcript-rebuilt; emitter-appended) ---
"""Pipeline reference for scband-first-layer-50594714746880 (READ-ONLY COPY).

The authoritative reference and input builder live on the scoring server;
editing this copy changes nothing except your own understanding.
"""

import jax, jax.numpy as jnp
import numpy as np

B = 16384
EMB_DIM = 128
VOCAB = 26
X_DIM = 128

def setup_inputs(seed: int = 0) -> dict:
    key = jax.random.key(seed)
    k_loc, k_x, k_emb = jax.random.split(key, 3)
    loc = jax.random.randint(k_loc, (B,), 0, VOCAB, dtype=jnp.int64 if jax.config.read('jax_enable_x64') else jnp.int32)
    x = jax.random.normal(k_x, (B, X_DIM), dtype=jnp.float32)
    # learned parameter: nn.Embedding(26, n_neurons_embedding).weight
    embedding_table = jax.random.normal(k_emb, (VOCAB, EMB_DIM), dtype=jnp.float32)
    return {"loc": loc, "x": x, "embedding_table": embedding_table}

def reference(loc, x, embedding_table):
    # torch: torch.cat((self.location_embedding(loc), x), dim=1)
    emb = jnp.take(embedding_table, loc, axis=0)  # [B, EMB_DIM]
    return jnp.concatenate((emb, x), axis=1)      # [B, EMB_DIM + X_DIM]

if __name__ == "__main__":
    import jax
    _d = setup_inputs()
    print(jax.jit(kernel)(*tuple(_d.values())))

</pallas_src>

<mosaic_0001>
#map = affine_map<(d0, d1) -> (0)>
#map1 = affine_map<(d0, d1) -> (0, 0)>
module attributes {stable_mosaic.version = 14 : i64} {
  func.func @_gather_sc(%arg0: i32, %arg1: i32, %arg2: memref<16384xi32, #tpu.memory_space<hbm>>, %arg3: memref<26x128xf32, #tpu.memory_space<hbm>>, %arg4: memref<16384x256xf32, #tpu.memory_space<hbm>>, %arg5: memref<26x128xf32, #tpu.memory_space<vmem_shared>>, %arg6: memref<4x128xi32, #tpu.memory_space<vmem>>, %arg7: memref<512x128xf32, #tpu.memory_space<vmem>>, %arg8: memref<!tpu.dma_semaphore, #tpu.memory_space<semaphore_mem>>, %arg9: memref<!tpu.dma_semaphore, #tpu.memory_space<semaphore_mem>>, %arg10: memref<!tpu.dma_semaphore, #tpu.memory_space<semaphore_mem>>) attributes {dimension_semantics = [#tpu.dimension_semantics<core_parallel>, #tpu.dimension_semantics<subcore_parallel>], iteration_bounds = array<i64: 2, 16>, scalar_prefetch = 0 : i64, scratch_operands = 6 : i64, tpu.core_type = #tpu.core_type<sc_vector_subcore>, window_params = [{transform_indices = #map}, {transform_indices = #map1}, {transform_indices = #map1}]} {
    %mul3A = arith.constant 2 : i32
    %mul3A_0 = arith.muli %arg1, %mul3A : i32
    %add3A = arith.addi %mul3A_0, %arg0 : i32
    %mul3A_1 = arith.constant 512 : i32
    %mul3A_2 = arith.muli %add3A, %mul3A_1 : i32
    %eq3A = arith.constant 0 : i32
    %eq3A_3 = arith.cmpi eq, %arg1, %eq3A : i32
    %convert_element_type3A = arith.extui %eq3A_3 : i1 to i32
    %cond3A = arith.constant 0 : i32
    %cond3A_4 = arith.cmpi ne, %convert_element_type3A, %cond3A : i32
    scf.if %cond3A_4 {
      tpu.enqueue_dma source(%arg3 : memref<26x128xf32, #tpu.memory_space<hbm>>) target(%arg5 : memref<26x128xf32, #tpu.memory_space<vmem_shared>>) target_semaphore(%arg9 : memref<!tpu.dma_semaphore, #tpu.memory_space<semaphore_mem>>)
      tpu.wait_dma2 semaphore(%arg9 : memref<!tpu.dma_semaphore, #tpu.memory_space<semaphore_mem>>) src(%arg3 : memref<26x128xf32, #tpu.memory_space<hbm>>) dst(%arg5 : memref<26x128xf32, #tpu.memory_space<vmem_shared>>)
    } else {
    }
    %add3A_5 = arith.constant 0 : i32
    %add3A_6 = arith.addi %mul3A_2, %add3A_5 : i32
    %dma_start3A = arith.constant 0 : i32
    %dma_start3A_7 = arith.constant 0 : i32
    %dma_start3A_8 = tpu.memref_slice %arg6[%dma_start3A, %dma_start3A_7] : memref<4x128xi32, #tpu.memory_space<vmem>> -> memref<1x128xi32, #tpu.memory_space<vmem>>
    %dma_start3A_9 = tpu.memref_squeeze %dma_start3A_8 : memref<1x128xi32, #tpu.memory_space<vmem>> -> memref<128xi32, #tpu.memory_space<vmem>>
    %dma_start3A_10 = tpu.memref_slice %arg2[%add3A_6] : memref<16384xi32, #tpu.memory_space<hbm>> -> memref<128xi32, #tpu.memory_space<hbm>>
    %dma_start3A_11 = arith.constant 0 : i32
    %dma_start3A_12 = tpu.memref_slice %arg6[%dma_start3A, %dma_start3A_11] : memref<4x128xi32, #tpu.memory_space<vmem>> -> memref<1x128xi32, #tpu.memory_space<vmem>>
    %dma_start3A_13 = tpu.memref_squeeze %dma_start3A_12 : memref<1x128xi32, #tpu.memory_space<vmem>> -> memref<128xi32, #tpu.memory_space<vmem>>
    %dma_start3A_14 = tpu.memref_slice %arg2[%add3A_6] : memref<16384xi32, #tpu.memory_space<hbm>> -> memref<128xi32, #tpu.memory_space<hbm>>
    tpu.enqueue_dma source(%dma_start3A_14 : memref<128xi32, #tpu.memory_space<hbm>>) target(%dma_start3A_13 : memref<128xi32, #tpu.memory_space<vmem>>) target_semaphore(%arg8 : memref<!tpu.dma_semaphore, #tpu.memory_space<semaphore_mem>>)
    %add3A_15 = arith.constant 128 : i32
    %add3A_16 = arith.addi %mul3A_2, %add3A_15 : i32
    %dma_start3A_17 = arith.constant 1 : i32
    %dma_start3A_18 = arith.constant 0 : i32
    %dma_start3A_19 = tpu.memref_slice %arg6[%dma_start3A_17, %dma_start3A_18] : memref<4x128xi32, #tpu.memory_space<vmem>> -> memref<1x128xi32, #tpu.memory_space<vmem>>
    %dma_start3A_20 = tpu.memref_squeeze %dma_start3A_19 : memref<1x128xi32, #tpu.memory_space<vmem>> -> memref<128xi32, #tpu.memory_space<vmem>>
    %dma_start3A_21 = tpu.memref_slice %arg2[%add3A_16] : memref<16384xi32, #tpu.memory_space<hbm>> -> memref<128xi32, #tpu.memory_space<hbm>>
    %dma_start3A_22 = arith.constant 0 : i32
    %dma_start3A_23 = tpu.memref_slice %arg6[%dma_start3A_17, %dma_start3A_22] : memref<4x128xi32, #tpu.memory_space<vmem>> -> memref<1x128xi32, #tpu.memory_space<vmem>>
    %dma_start3A_24 = tpu.memref_squeeze %dma_start3A_23 : memref<1x128xi32, #tpu.memory_space<vmem>> -> memref<128xi32, #tpu.memory_space<vmem>>
    %dma_start3A_25 = tpu.memref_slice %arg2[%add3A_16] : memref<16384xi32, #tpu.memory_space<hbm>> -> memref<128xi32, #tpu.memory_space<hbm>>
    tpu.enqueue_dma source(%dma_start3A_25 : memref<128xi32, #tpu.memory_space<hbm>>) target(%dma_start3A_24 : memref<128xi32, #tpu.memory_space<vmem>>) target_semaphore(%arg8 : memref<!tpu.dma_semaphore, #tpu.memory_space<semaphore_mem>>)
    %add3A_26 = arith.constant 256 : i32
    %add3A_27 = arith.addi %mul3A_2, %add3A_26 : i32
    %dma_start3A_28 = arith.constant 2 : i32
    %dma_start3A_29 = arith.constant 0 : i32
    %dma_start3A_30 = tpu.memref_slice %arg6[%dma_start3A_28, %dma_start3A_29] : memref<4x128xi32, #tpu.memory_space<vmem>> -> memref<1x128xi32, #tpu.memory_space<vmem>>
    %dma_start3A_31 = tpu.memref_squeeze %dma_start3A_30 : memref<1x128xi32, #tpu.memory_space<vmem>> -> memref<128xi32, #tpu.memory_space<vmem>>
    %dma_start3A_32 = tpu.memref_slice %arg2[%add3A_27] : memref<16384xi32, #tpu.memory_space<hbm>> -> memref<128xi32, #tpu.memory_space<hbm>>
    %dma_start3A_33 = arith.constant 0 : i32
    %dma_start3A_34 = tpu.memref_slice %arg6[%dma_start3A_28, %dma_start3A_33] : memref<4x128xi32, #tpu.memory_space<vmem>> -> memref<1x128xi32, #tpu.memory_space<vmem>>
    %dma_start3A_35 = tpu.memref_squeeze %dma_start3A_34 : memref<1x128xi32, #tpu.memory_space<vmem>> -> memref<128xi32, #tpu.memory_space<vmem>>
    %dma_start3A_36 = tpu.memref_slice %arg2[%add3A_27] : memref<16384xi32, #tpu.memory_space<hbm>> -> memref<128xi32, #tpu.memory_space<hbm>>
    tpu.enqueue_dma source(%dma_start3A_36 : memref<128xi32, #tpu.memory_space<hbm>>) target(%dma_start3A_35 : memref<128xi32, #tpu.memory_space<vmem>>) target_semaphore(%arg8 : memref<!tpu.dma_semaphore, #tpu.memory_space<semaphore_mem>>)
    %add3A_37 = arith.constant 384 : i32
    %add3A_38 = arith.addi %mul3A_2, %add3A_37 : i32
    %dma_start3A_39 = arith.constant 3 : i32
    %dma_start3A_40 = arith.constant 0 : i32
    %dma_start3A_41 = tpu.memref_slice %arg6[%dma_start3A_39, %dma_start3A_40] : memref<4x128xi32, #tpu.memory_space<vmem>> -> memref<1x128xi32, #tpu.memory_space<vmem>>
    %dma_start3A_42 = tpu.memref_squeeze %dma_start3A_41 : memref<1x128xi32, #tpu.memory_space<vmem>> -> memref<128xi32, #tpu.memory_space<vmem>>
    %dma_start3A_43 = tpu.memref_slice %arg2[%add3A_38] : memref<16384xi32, #tpu.memory_space<hbm>> -> memref<128xi32, #tpu.memory_space<hbm>>
    %dma_start3A_44 = arith.constant 0 : i32
    %dma_start3A_45 = tpu.memref_slice %arg6[%dma_start3A_39, %dma_start3A_44] : memref<4x128xi32, #tpu.memory_space<vmem>> -> memref<1x128xi32, #tpu.memory_space<vmem>>
    %dma_start3A_46 = tpu.memref_squeeze %dma_start3A_45 : memref<1x128xi32, #tpu.memory_space<vmem>> -> memref<128xi32, #tpu.memory_space<vmem>>
    %dma_start3A_47 = tpu.memref_slice %arg2[%add3A_38] : memref<16384xi32, #tpu.memory_space<hbm>> -> memref<128xi32, #tpu.memory_space<hbm>>
    tpu.enqueue_dma source(%dma_start3A_47 : memref<128xi32, #tpu.memory_space<hbm>>) target(%dma_start3A_46 : memref<128xi32, #tpu.memory_space<vmem>>) target_semaphore(%arg8 : memref<!tpu.dma_semaphore, #tpu.memory_space<semaphore_mem>>)
    %dma_wait3A = arith.constant 0 : i32
    %dma_wait3A_48 = arith.constant 0 : i32
    %dma_wait3A_49 = tpu.memref_slice %arg6[%dma_wait3A, %dma_wait3A_48] : memref<4x128xi32, #tpu.memory_space<vmem>> -> memref<1x128xi32, #tpu.memory_space<vmem>>
    %dma_wait3A_50 = tpu.memref_squeeze %dma_wait3A_49 : memref<1x128xi32, #tpu.memory_space<vmem>> -> memref<128xi32, #tpu.memory_space<vmem>>
    %dma_wait3A_51 = tpu.memref_slice %arg2[%add3A_6] : memref<16384xi32, #tpu.memory_space<hbm>> -> memref<128xi32, #tpu.memory_space<hbm>>
    %dma_wait3A_52 = arith.constant 0 : i32
    %dma_wait3A_53 = tpu.memref_slice %arg6[%dma_wait3A, %dma_wait3A_52] : memref<4x128xi32, #tpu.memory_space<vmem>> -> memref<1x128xi32, #tpu.memory_space<vmem>>
    %dma_wait3A_54 = tpu.memref_squeeze %dma_wait3A_53 : memref<1x128xi32, #tpu.memory_space<vmem>> -> memref<128xi32, #tpu.memory_space<vmem>>
    %dma_wait3A_55 = tpu.memref_slice %arg2[%add3A_6] : memref<16384xi32, #tpu.memory_space<hbm>> -> memref<128xi32, #tpu.memory_space<hbm>>
    tpu.wait_dma2 semaphore(%arg8 : memref<!tpu.dma_semaphore, #tpu.memory_space<semaphore_mem>>) src(%dma_wait3A_55 : memref<128xi32, #tpu.memory_space<hbm>>) dst(%dma_wait3A_54 : memref<128xi32, #tpu.memory_space<vmem>>)
    %dma_wait3A_56 = arith.constant 1 : i32
    %dma_wait3A_57 = arith.constant 0 : i32
    %dma_wait3A_58 = tpu.memref_slice %arg6[%dma_wait3A_56, %dma_wait3A_57] : memref<4x128xi32, #tpu.memory_space<vmem>> -> memref<1x128xi32, #tpu.memory_space<vmem>>
    %dma_wait3A_59 = tpu.memref_squeeze %dma_wait3A_58 : memref<1x128xi32, #tpu.memory_space<vmem>> -> memref<128xi32, #tpu.memory_space<vmem>>
    %dma_wait3A_60 = tpu.memref_slice %arg2[%add3A_16] : memref<16384xi32, #tpu.memory_space<hbm>> -> memref<128xi32, #tpu.memory_space<hbm>>
    %dma_wait3A_61 = arith.constant 0 : i32
    %dma_wait3A_62 = tpu.memref_slice %arg6[%dma_wait3A_56, %dma_wait3A_61] : memref<4x128xi32, #tpu.memory_space<vmem>> -> memref<1x128xi32, #tpu.memory_space<vmem>>
    %dma_wait3A_63 = tpu.memref_squeeze %dma_wait3A_62 : memref<1x128xi32, #tpu.memory_space<vmem>> -> memref<128xi32, #tpu.memory_space<vmem>>
    %dma_wait3A_64 = tpu.memref_slice %arg2[%add3A_16] : memref<16384xi32, #tpu.memory_space<hbm>> -> memref<128xi32, #tpu.memory_space<hbm>>
    tpu.wait_dma2 semaphore(%arg8 : memref<!tpu.dma_semaphore, #tpu.memory_space<semaphore_mem>>) src(%dma_wait3A_64 : memref<128xi32, #tpu.memory_space<hbm>>) dst(%dma_wait3A_63 : memref<128xi32, #tpu.memory_space<vmem>>)
    %dma_wait3A_65 = arith.constant 2 : i32
    %dma_wait3A_66 = arith.constant 0 : i32
    %dma_wait3A_67 = tpu.memref_slice %arg6[%dma_wait3A_65, %dma_wait3A_66] : memref<4x128xi32, #tpu.memory_space<vmem>> -> memref<1x128xi32, #tpu.memory_space<vmem>>
    %dma_wait3A_68 = tpu.memref_squeeze %dma_wait3A_67 : memref<1x128xi32, #tpu.memory_space<vmem>> -> memref<128xi32, #tpu.memory_space<vmem>>
    %dma_wait3A_69 = tpu.memref_slice %arg2[%add3A_27] : memref<16384xi32, #tpu.memory_space<hbm>> -> memref<128xi32, #tpu.memory_space<hbm>>
    %dma_wait3A_70 = arith.constant 0 : i32
    %dma_wait3A_71 = tpu.memref_slice %arg6[%dma_wait3A_65, %dma_wait3A_70] : memref<4x128xi32, #tpu.memory_space<vmem>> -> memref<1x128xi32, #tpu.memory_space<vmem>>
    %dma_wait3A_72 = tpu.memref_squeeze %dma_wait3A_71 : memref<1x128xi32, #tpu.memory_space<vmem>> -> memref<128xi32, #tpu.memory_space<vmem>>
    %dma_wait3A_73 = tpu.memref_slice %arg2[%add3A_27] : memref<16384xi32, #tpu.memory_space<hbm>> -> memref<128xi32, #tpu.memory_space<hbm>>
    tpu.wait_dma2 semaphore(%arg8 : memref<!tpu.dma_semaphore, #tpu.memory_space<semaphore_mem>>) src(%dma_wait3A_73 : memref<128xi32, #tpu.memory_space<hbm>>) dst(%dma_wait3A_72 : memref<128xi32, #tpu.memory_space<vmem>>)
    %dma_wait3A_74 = arith.constant 3 : i32
    %dma_wait3A_75 = arith.constant 0 : i32
    %dma_wait3A_76 = tpu.memref_slice %arg6[%dma_wait3A_74, %dma_wait3A_75] : memref<4x128xi32, #tpu.memory_space<vmem>> -> memref<1x128xi32, #tpu.memory_space<vmem>>
    %dma_wait3A_77 = tpu.memref_squeeze %dma_wait3A_76 : memref<1x128xi32, #tpu.memory_space<vmem>> -> memref<128xi32, #tpu.memory_space<vmem>>
    %dma_wait3A_78 = tpu.memref_slice %arg2[%add3A_38] : memref<16384xi32, #tpu.memory_space<hbm>> -> memref<128xi32, #tpu.memory_space<hbm>>
    %dma_wait3A_79 = arith.constant 0 : i32
    %dma_wait3A_80 = tpu.memref_slice %arg6[%dma_wait3A_74, %dma_wait3A_79] : memref<4x128xi32, #tpu.memory_space<vmem>> -> memref<1x128xi32, #tpu.memory_space<vmem>>
    %dma_wait3A_81 = tpu.memref_squeeze %dma_wait3A_80 : memref<1x128xi32, #tpu.memory_space<vmem>> -> memref<128xi32, #tpu.memory_space<vmem>>
    %dma_wait3A_82 = tpu.memref_slice %arg2[%add3A_38] : memref<16384xi32, #tpu.memory_space<hbm>> -> memref<128xi32, #tpu.memory_space<hbm>>
    tpu.wait_dma2 semaphore(%arg8 : memref<!tpu.dma_semaphore, #tpu.memory_space<semaphore_mem>>) src(%dma_wait3A_82 : memref<128xi32, #tpu.memory_space<hbm>>) dst(%dma_wait3A_81 : memref<128xi32, #tpu.memory_space<vmem>>)
    %barrier3A = arith.constant 0 : index
    tpu.barrier barrier_id(%barrier3A)
    %dma_start3A_83 = arith.constant 0 : i32
    %dma_start3A_84 = arith.constant 0 : i32
    %dma_start3A_85 = arith.constant 0 : i32
    %dma_start3A_86 = tpu.memref_slice %arg7[%dma_start3A_84, %dma_start3A_85] : memref<512x128xf32, #tpu.memory_space<vmem>> -> memref<128x128xf32, #tpu.memory_space<vmem>>
    %dma_start3A_87 = arith.constant 0 : i32
    %dma_start3A_88 = tpu.memref_slice %arg6[%dma_start3A_83, %dma_start3A_87] : memref<4x128xi32, #tpu.memory_space<vmem>> -> memref<1x128xi32, #tpu.memory_space<vmem>>
    %dma_start3A_89 = tpu.memref_squeeze %dma_start3A_88 : memref<1x128xi32, #tpu.memory_space<vmem>> -> memref<128xi32, #tpu.memory_space<vmem>>
    %dma_start3A_90 = arith.constant 0 : i32
    %dma_start3A_91 = arith.constant 0 : i32
    %dma_start3A_92 = tpu.memref_slice %arg5[%dma_start3A_90, %dma_start3A_91] : memref<26x128xf32, #tpu.memory_space<vmem_shared>> -> memref<26x128xf32, #tpu.memory_space<vmem_shared>>
    tpu.enqueue_indirect_dma source(%dma_start3A_92 : memref<26x128xf32, #tpu.memory_space<vmem_shared>>) target(%dma_start3A_86 : memref<128x128xf32, #tpu.memory_space<vmem>>) offsets(%dma_start3A_89 : memref<128xi32, #tpu.memory_space<vmem>>) semaphore(%arg9 : memref<!tpu.dma_semaphore, #tpu.memory_space<semaphore_mem>>)
    %dma_start3A_93 = arith.constant 1 : i32
    %dma_start3A_94 = arith.constant 128 : i32
    %dma_start3A_95 = arith.constant 0 : i32
    %dma_start3A_96 = tpu.memref_slice %arg7[%dma_start3A_94, %dma_start3A_95] : memref<512x128xf32, #tpu.memory_space<vmem>> -> memref<128x128xf32, #tpu.memory_space<vmem>>
    %dma_start3A_97 = arith.constant 0 : i32
    %dma_start3A_98 = tpu.memref_slice %arg6[%dma_start3A_93, %dma_start3A_97] : memref<4x128xi32, #tpu.memory_space<vmem>> -> memref<1x128xi32, #tpu.memory_space<vmem>>
    %dma_start3A_99 = tpu.memref_squeeze %dma_start3A_98 : memref<1x128xi32, #tpu.memory_space<vmem>> -> memref<128xi32, #tpu.memory_space<vmem>>
    %dma_start3A_100 = arith.constant 0 : i32
    %dma_start3A_101 = arith.constant 0 : i32
    %dma_start3A_102 = tpu.memref_slice %arg5[%dma_start3A_100, %dma_start3A_101] : memref<26x128xf32, #tpu.memory_space<vmem_shared>> -> memref<26x128xf32, #tpu.memory_space<vmem_shared>>
    tpu.enqueue_indirect_dma source(%dma_start3A_102 : memref<26x128xf32, #tpu.memory_space<vmem_shared>>) target(%dma_start3A_96 : memref<128x128xf32, #tpu.memory_space<vmem>>) offsets(%dma_start3A_99 : memref<128xi32, #tpu.memory_space<vmem>>) semaphore(%arg9 : memref<!tpu.dma_semaphore, #tpu.memory_space<semaphore_mem>>)
    %dma_start3A_103 = arith.constant 2 : i32
    %dma_start3A_104 = arith.constant 256 : i32
    %dma_start3A_105 = arith.constant 0 : i32
    %dma_start3A_106 = tpu.memref_slice %arg7[%dma_start3A_104, %dma_start3A_105] : memref<512x128xf32, #tpu.memory_space<vmem>> -> memref<128x128xf32, #tpu.memory_space<vmem>>
    %dma_start3A_107 = arith.constant 0 : i32
    %dma_start3A_108 = tpu.memref_slice %arg6[%dma_start3A_103, %dma_start3A_107] : memref<4x128xi32, #tpu.memory_space<vmem>> -> memref<1x128xi32, #tpu.memory_space<vmem>>
    %dma_start3A_109 = tpu.memref_squeeze %dma_start3A_108 : memref<1x128xi32, #tpu.memory_space<vmem>> -> memref<128xi32, #tpu.memory_space<vmem>>
    %dma_start3A_110 = arith.constant 0 : i32
    %dma_start3A_111 = arith.constant 0 : i32
    %dma_start3A_112 = tpu.memref_slice %arg5[%dma_start3A_110, %dma_start3A_111] : memref<26x128xf32, #tpu.memory_space<vmem_shared>> -> memref<26x128xf32, #tpu.memory_space<vmem_shared>>
    tpu.enqueue_indirect_dma source(%dma_start3A_112 : memref<26x128xf32, #tpu.memory_space<vmem_shared>>) target(%dma_start3A_106 : memref<128x128xf32, #tpu.memory_space<vmem>>) offsets(%dma_start3A_109 : memref<128xi32, #tpu.memory_space<vmem>>) semaphore(%arg9 : memref<!tpu.dma_semaphore, #tpu.memory_space<semaphore_mem>>)
    %dma_start3A_113 = arith.constant 3 : i32
    %dma_start3A_114 = arith.constant 384 : i32
    %dma_start3A_115 = arith.constant 0 : i32
    %dma_start3A_116 = tpu.memref_slice %arg7[%dma_start3A_114, %dma_start3A_115] : memref<512x128xf32, #tpu.memory_space<vmem>> -> memref<128x128xf32, #tpu.memory_space<vmem>>
    %dma_start3A_117 = arith.constant 0 : i32
    %dma_start3A_118 = tpu.memref_slice %arg6[%dma_start3A_113, %dma_start3A_117] : memref<4x128xi32, #tpu.memory_space<vmem>> -> memref<1x128xi32, #tpu.memory_space<vmem>>
    %dma_start3A_119 = tpu.memref_squeeze %dma_start3A_118 : memref<1x128xi32, #tpu.memory_space<vmem>> -> memref<128xi32, #tpu.memory_space<vmem>>
    %dma_start3A_120 = arith.constant 0 : i32
    %dma_start3A_121 = arith.constant 0 : i32
    %dma_start3A_122 = tpu.memref_slice %arg5[%dma_start3A_120, %dma_start3A_121] : memref<26x128xf32, #tpu.memory_space<vmem_shared>> -> memref<26x128xf32, #tpu.memory_space<vmem_shared>>
    tpu.enqueue_indirect_dma source(%dma_start3A_122 : memref<26x128xf32, #tpu.memory_space<vmem_shared>>) target(%dma_start3A_116 : memref<128x128xf32, #tpu.memory_space<vmem>>) offsets(%dma_start3A_119 : memref<128xi32, #tpu.memory_space<vmem>>) semaphore(%arg9 : memref<!tpu.dma_semaphore, #tpu.memory_space<semaphore_mem>>)
    %dma_wait3A_123 = arith.constant 0 : i32
    %dma_wait3A_124 = arith.constant 0 : i32
    %dma_wait3A_125 = arith.constant 0 : i32
    %dma_wait3A_126 = tpu.memref_slice %arg7[%dma_wait3A_124, %dma_wait3A_125] : memref<512x128xf32, #tpu.memory_space<vmem>> -> memref<128x128xf32, #tpu.memory_space<vmem>>
    %dma_wait3A_127 = arith.constant 0 : i32
    %dma_wait3A_128 = tpu.memref_slice %arg6[%dma_wait3A_123, %dma_wait3A_127] : memref<4x128xi32, #tpu.memory_space<vmem>> -> memref<1x128xi32, #tpu.memory_space<vmem>>
    %dma_wait3A_129 = tpu.memref_squeeze %dma_wait3A_128 : memref<1x128xi32, #tpu.memory_space<vmem>> -> memref<128xi32, #tpu.memory_space<vmem>>
    %dma_wait3A_130 = arith.constant 0 : i32
    %dma_wait3A_131 = arith.constant 0 : i32
    %dma_wait3A_132 = tpu.memref_slice %arg5[%dma_wait3A_130, %dma_wait3A_131] : memref<26x128xf32, #tpu.memory_space<vmem_shared>> -> memref<26x128xf32, #tpu.memory_space<vmem_shared>>
    tpu.wait_indirect_dma semaphore(%arg9 : memref<!tpu.dma_semaphore, #tpu.memory_space<semaphore_mem>>) src(%dma_wait3A_132 : memref<26x128xf32, #tpu.memory_space<vmem_shared>>) dst(%dma_wait3A_126 : memref<128x128xf32, #tpu.memory_space<vmem>>)
    %add3A_133 = arith.constant 0 : i32
    %add3A_134 = arith.addi %mul3A_2, %add3A_133 : i32
    %dma_start3A_135 = arith.constant 0 : i32
    %dma_start3A_136 = arith.constant 0 : i32
    %dma_start3A_137 = tpu.memref_slice %arg7[%dma_start3A_135, %dma_start3A_136] : memref<512x128xf32, #tpu.memory_space<vmem>> -> memref<128x128xf32, #tpu.memory_space<vmem>>
    %dma_start3A_138 = arith.constant 0 : i32
    %dma_start3A_139 = tpu.memref_slice %arg4[%add3A_134, %dma_start3A_138] : memref<16384x256xf32, #tpu.memory_space<hbm>> -> memref<128x128xf32, #tpu.memory_space<hbm>>
    %dma_start3A_140 = arith.constant 0 : i32
    %dma_start3A_141 = tpu.memref_slice %arg4[%add3A_134, %dma_start3A_140] : memref<16384x256xf32, #tpu.memory_space<hbm>> -> memref<128x128xf32, #tpu.memory_space<hbm>>
    %dma_start3A_142 = arith.constant 0 : i32
    %dma_start3A_143 = arith.constant 0 : i32
    %dma_start3A_144 = tpu.memref_slice %arg7[%dma_start3A_142, %dma_start3A_143] : memref<512x128xf32, #tpu.memory_space<vmem>> -> memref<128x128xf32, #tpu.memory_space<vmem>>
    tpu.enqueue_dma source(%dma_start3A_144 : memref<128x128xf32, #tpu.memory_space<vmem>>) target(%dma_start3A_141 : memref<128x128xf32, #tpu.memory_space<hbm>>) target_semaphore(%arg10 : memref<!tpu.dma_semaphore, #tpu.memory_space<semaphore_mem>>)
    %dma_wait3A_145 = arith.constant 1 : i32
    %dma_wait3A_146 = arith.constant 128 : i32
    %dma_wait3A_147 = arith.constant 0 : i32
    %dma_wait3A_148 = tpu.memref_slice %arg7[%dma_wait3A_146, %dma_wait3A_147] : memref<512x128xf32, #tpu.memory_space<vmem>> -> memref<128x128xf32, #tpu.memory_space<vmem>>
    %dma_wait3A_149 = arith.constant 0 : i32
    %dma_wait3A_150 = tpu.memref_slice %arg6[%dma_wait3A_145, %dma_wait3A_149] : memref<4x128xi32, #tpu.memory_space<vmem>> -> memref<1x128xi32, #tpu.memory_space<vmem>>
    %dma_wait3A_151 = tpu.memref_squeeze %dma_wait3A_150 : memref<1x128xi32, #tpu.memory_space<vmem>> -> memref<128xi32, #tpu.memory_space<vmem>>
    %dma_wait3A_152 = arith.constant 0 : i32
    %dma_wait3A_153 = arith.constant 0 : i32
    %dma_wait3A_154 = tpu.memref_slice %arg5[%dma_wait3A_152, %dma_wait3A_153] : memref<26x128xf32, #tpu.memory_space<vmem_shared>> -> memref<26x128xf32, #tpu.memory_space<vmem_shared>>
    tpu.wait_indirect_dma semaphore(%arg9 : memref<!tpu.dma_semaphore, #tpu.memory_space<semaphore_mem>>) src(%dma_wait3A_154 : memref<26x128xf32, #tpu.memory_space<vmem_shared>>) dst(%dma_wait3A_148 : memref<128x128xf32, #tpu.memory_space<vmem>>)
    %add3A_155 = arith.constant 128 : i32
    %add3A_156 = arith.addi %mul3A_2, %add3A_155 : i32
    %dma_start3A_157 = arith.constant 128 : i32
    %dma_start3A_158 = arith.constant 0 : i32
    %dma_start3A_159 = tpu.memref_slice %arg7[%dma_start3A_157, %dma_start3A_158] : memref<512x128xf32, #tpu.memory_space<vmem>> -> memref<128x128xf32, #tpu.memory_space<vmem>>
    %dma_start3A_160 = arith.constant 0 : i32
    %dma_start3A_161 = tpu.memref_slice %arg4[%add3A_156, %dma_start3A_160] : memref<16384x256xf32, #tpu.memory_space<hbm>> -> memref<128x128xf32, #tpu.memory_space<hbm>>
    %dma_start3A_162 = arith.constant 0 : i32
    %dma_start3A_163 = tpu.memref_slice %arg4[%add3A_156, %dma_start3A_162] : memref<16384x256xf32, #tpu.memory_space<hbm>> -> memref<128x128xf32, #tpu.memory_space<hbm>>
    %dma_start3A_164 = arith.constant 128 : i32
    %dma_start3A_165 = arith.constant 0 : i32
    %dma_start3A_166 = tpu.memref_slice %arg7[%dma_start3A_164, %dma_start3A_165] : memref<512x128xf32, #tpu.memory_space<vmem>> -> memref<128x128xf32, #tpu.memory_space<vmem>>
    tpu.enqueue_dma source(%dma_start3A_166 : memref<128x128xf32, #tpu.memory_space<vmem>>) target(%dma_start3A_163 : memref<128x128xf32, #tpu.memory_space<hbm>>) target_semaphore(%arg10 : memref<!tpu.dma_semaphore, #tpu.memory_space<semaphore_mem>>)
    %dma_wait3A_167 = arith.constant 2 : i32
    %dma_wait3A_168 = arith.constant 256 : i32
    %dma_wait3A_169 = arith.constant 0 : i32
    %dma_wait3A_170 = tpu.memref_slice %arg7[%dma_wait3A_168, %dma_wait3A_169] : memref<512x128xf32, #tpu.memory_space<vmem>> -> memref<128x128xf32, #tpu.memory_space<vmem>>
    %dma_wait3A_171 = arith.constant 0 : i32
    %dma_wait3A_172 = tpu.memref_slice %arg6[%dma_wait3A_167, %dma_wait3A_171] : memref<4x128xi32, #tpu.memory_space<vmem>> -> memref<1x128xi32, #tpu.memory_space<vmem>>
    %dma_wait3A_173 = tpu.memref_squeeze %dma_wait3A_172 : memref<1x128xi32, #tpu.memory_space<vmem>> -> memref<128xi32, #tpu.memory_space<vmem>>
    %dma_wait3A_174 = arith.constant 0 : i32
    %dma_wait3A_175 = arith.constant 0 : i32
    %dma_wait3A_176 = tpu.memref_slice %arg5[%dma_wait3A_174, %dma_wait3A_175] : memref<26x128xf32, #tpu.memory_space<vmem_shared>> -> memref<26x128xf32, #tpu.memory_space<vmem_shared>>
    tpu.wait_indirect_dma semaphore(%arg9 : memref<!tpu.dma_semaphore, #tpu.memory_space<semaphore_mem>>) src(%dma_wait3A_176 : memref<26x128xf32, #tpu.memory_space<vmem_shared>>) dst(%dma_wait3A_170 : memref<128x128xf32, #tpu.memory_space<vmem>>)
    %add3A_177 = arith.constant 256 : i32
    %add3A_178 = arith.addi %mul3A_2, %add3A_177 : i32
    %dma_start3A_179 = arith.constant 256 : i32
    %dma_start3A_180 = arith.constant 0 : i32
    %dma_start3A_181 = tpu.memref_slice %arg7[%dma_start3A_179, %dma_start3A_180] : memref<512x128xf32, #tpu.memory_space<vmem>> -> memref<128x128xf32, #tpu.memory_space<vmem>>
    %dma_start3A_182 = arith.constant 0 : i32
    %dma_start3A_183 = tpu.memref_slice %arg4[%add3A_178, %dma_start3A_182] : memref<16384x256xf32, #tpu.memory_space<hbm>> -> memref<128x128xf32, #tpu.memory_space<hbm>>
    %dma_start3A_184 = arith.constant 0 : i32
    %dma_start3A_185 = tpu.memref_slice %arg4[%add3A_178, %dma_start3A_184] : memref<16384x256xf32, #tpu.memory_space<hbm>> -> memref<128x128xf32, #tpu.memory_space<hbm>>
    %dma_start3A_186 = arith.constant 256 : i32
    %dma_start3A_187 = arith.constant 0 : i32
    %dma_start3A_188 = tpu.memref_slice %arg7[%dma_start3A_186, %dma_start3A_187] : memref<512x128xf32, #tpu.memory_space<vmem>> -> memref<128x128xf32, #tpu.memory_space<vmem>>
    tpu.enqueue_dma source(%dma_start3A_188 : memref<128x128xf32, #tpu.memory_space<vmem>>) target(%dma_start3A_185 : memref<128x128xf32, #tpu.memory_space<hbm>>) target_semaphore(%arg10 : memref<!tpu.dma_semaphore, #tpu.memory_space<semaphore_mem>>)
    %dma_wait3A_189 = arith.constant 3 : i32
    %dma_wait3A_190 = arith.constant 384 : i32
    %dma_wait3A_191 = arith.constant 0 : i32
    %dma_wait3A_192 = tpu.memref_slice %arg7[%dma_wait3A_190, %dma_wait3A_191] : memref<512x128xf32, #tpu.memory_space<vmem>> -> memref<128x128xf32, #tpu.memory_space<vmem>>
    %dma_wait3A_193 = arith.constant 0 : i32
    %dma_wait3A_194 = tpu.memref_slice %arg6[%dma_wait3A_189, %dma_wait3A_193] : memref<4x128xi32, #tpu.memory_space<vmem>> -> memref<1x128xi32, #tpu.memory_space<vmem>>
    %dma_wait3A_195 = tpu.memref_squeeze %dma_wait3A_194 : memref<1x128xi32, #tpu.memory_space<vmem>> -> memref<128xi32, #tpu.memory_space<vmem>>
    %dma_wait3A_196 = arith.constant 0 : i32
    %dma_wait3A_197 = arith.constant 0 : i32
    %dma_wait3A_198 = tpu.memref_slice %arg5[%dma_wait3A_196, %dma_wait3A_197] : memref<26x128xf32, #tpu.memory_space<vmem_shared>> -> memref<26x128xf32, #tpu.memory_space<vmem_shared>>
    tpu.wait_indirect_dma semaphore(%arg9 : memref<!tpu.dma_semaphore, #tpu.memory_space<semaphore_mem>>) src(%dma_wait3A_198 : memref<26x128xf32, #tpu.memory_space<vmem_shared>>) dst(%dma_wait3A_192 : memref<128x128xf32, #tpu.memory_space<vmem>>)
    %add3A_199 = arith.constant 384 : i32
    %add3A_200 = arith.addi %mul3A_2, %add3A_199 : i32
    %dma_start3A_201 = arith.constant 384 : i32
    %dma_start3A_202 = arith.constant 0 : i32
    %dma_start3A_203 = tpu.memref_slice %arg7[%dma_start3A_201, %dma_start3A_202] : memref<512x128xf32, #tpu.memory_space<vmem>> -> memref<128x128xf32, #tpu.memory_space<vmem>>
    %dma_start3A_204 = arith.constant 0 : i32
    %dma_start3A_205 = tpu.memref_slice %arg4[%add3A_200, %dma_start3A_204] : memref<16384x256xf32, #tpu.memory_space<hbm>> -> memref<128x128xf32, #tpu.memory_space<hbm>>
    %dma_start3A_206 = arith.constant 0 : i32
    %dma_start3A_207 = tpu.memref_slice %arg4[%add3A_200, %dma_start3A_206] : memref<16384x256xf32, #tpu.memory_space<hbm>> -> memref<128x128xf32, #tpu.memory_space<hbm>>
    %dma_start3A_208 = arith.constant 384 : i32
    %dma_start3A_209 = arith.constant 0 : i32
    %dma_start3A_210 = tpu.memref_slice %arg7[%dma_start3A_208, %dma_start3A_209] : memref<512x128xf32, #tpu.memory_space<vmem>> -> memref<128x128xf32, #tpu.memory_space<vmem>>
    tpu.enqueue_dma source(%dma_start3A_210 : memref<128x128xf32, #tpu.memory_space<vmem>>) target(%dma_start3A_207 : memref<128x128xf32, #tpu.memory_space<hbm>>) target_semaphore(%arg10 : memref<!tpu.dma_semaphore, #tpu.memory_space<semaphore_mem>>)
    %dma_wait3A_211 = arith.constant 0 : i32
    %dma_wait3A_212 = arith.constant 0 : i32
    %dma_wait3A_213 = tpu.memref_slice %arg7[%dma_wait3A_211, %dma_wait3A_212] : memref<512x128xf32, #tpu.memory_space<vmem>> -> memref<128x128xf32, #tpu.memory_space<vmem>>
    %dma_wait3A_214 = arith.constant 0 : i32
    %dma_wait3A_215 = tpu.memref_slice %arg4[%add3A_134, %dma_wait3A_214] : memref<16384x256xf32, #tpu.memory_space<hbm>> -> memref<128x128xf32, #tpu.memory_space<hbm>>
    %dma_wait3A_216 = arith.constant 0 : i32
    %dma_wait3A_217 = tpu.memref_slice %arg4[%add3A_134, %dma_wait3A_216] : memref<16384x256xf32, #tpu.memory_space<hbm>> -> memref<128x128xf32, #tpu.memory_space<hbm>>
    %dma_wait3A_218 = arith.constant 0 : i32
    %dma_wait3A_219 = arith.constant 0 : i32
    %dma_wait3A_220 = tpu.memref_slice %arg7[%dma_wait3A_218, %dma_wait3A_219] : memref<512x128xf32, #tpu.memory_space<vmem>> -> memref<128x128xf32, #tpu.memory_space<vmem>>
    tpu.wait_dma2 semaphore(%arg10 : memref<!tpu.dma_semaphore, #tpu.memory_space<semaphore_mem>>) src(%dma_wait3A_220 : memref<128x128xf32, #tpu.memory_space<vmem>>) dst(%dma_wait3A_217 : memref<128x128xf32, #tpu.memory_space<hbm>>)
    %dma_wait3A_221 = arith.constant 128 : i32
    %dma_wait3A_222 = arith.constant 0 : i32
    %dma_wait3A_223 = tpu.memref_slice %arg7[%dma_wait3A_221, %dma_wait3A_222] : memref<512x128xf32, #tpu.memory_space<vmem>> -> memref<128x128xf32, #tpu.memory_space<vmem>>
    %dma_wait3A_224 = arith.constant 0 : i32
    %dma_wait3A_225 = tpu.memref_slice %arg4[%add3A_156, %dma_wait3A_224] : memref<16384x256xf32, #tpu.memory_space<hbm>> -> memref<128x128xf32, #tpu.memory_space<hbm>>
    %dma_wait3A_226 = arith.constant 0 : i32
    %dma_wait3A_227 = tpu.memref_slice %arg4[%add3A_156, %dma_wait3A_226] : memref<16384x256xf32, #tpu.memory_space<hbm>> -> memref<128x128xf32, #tpu.memory_space<hbm>>
    %dma_wait3A_228 = arith.constant 128 : i32
    %dma_wait3A_229 = arith.constant 0 : i32
    %dma_wait3A_230 = tpu.memref_slice %arg7[%dma_wait3A_228, %dma_wait3A_229] : memref<512x128xf32, #tpu.memory_space<vmem>> -> memref<128x128xf32, #tpu.memory_space<vmem>>
    tpu.wait_dma2 semaphore(%arg10 : memref<!tpu.dma_semaphore, #tpu.memory_space<semaphore_mem>>) src(%dma_wait3A_230 : memref<128x128xf32, #tpu.memory_space<vmem>>) dst(%dma_wait3A_227 : memref<128x128xf32, #tpu.memory_space<hbm>>)
    %dma_wait3A_231 = arith.constant 256 : i32
    %dma_wait3A_232 = arith.constant 0 : i32
    %dma_wait3A_233 = tpu.memref_slice %arg7[%dma_wait3A_231, %dma_wait3A_232] : memref<512x128xf32, #tpu.memory_space<vmem>> -> memref<128x128xf32, #tpu.memory_space<vmem>>
    %dma_wait3A_234 = arith.constant 0 : i32
    %dma_wait3A_235 = tpu.memref_slice %arg4[%add3A_178, %dma_wait3A_234] : memref<16384x256xf32, #tpu.memory_space<hbm>> -> memref<128x128xf32, #tpu.memory_space<hbm>>
    %dma_wait3A_236 = arith.constant 0 : i32
    %dma_wait3A_237 = tpu.memref_slice %arg4[%add3A_178, %dma_wait3A_236] : memref<16384x256xf32, #tpu.memory_space<hbm>> -> memref<128x128xf32, #tpu.memory_space<hbm>>
    %dma_wait3A_238 = arith.constant 256 : i32
    %dma_wait3A_239 = arith.constant 0 : i32
    %dma_wait3A_240 = tpu.memref_slice %arg7[%dma_wait3A_238, %dma_wait3A_239] : memref<512x128xf32, #tpu.memory_space<vmem>> -> memref<128x128xf32, #tpu.memory_space<vmem>>
    tpu.wait_dma2 semaphore(%arg10 : memref<!tpu.dma_semaphore, #tpu.memory_space<semaphore_mem>>) src(%dma_wait3A_240 : memref<128x128xf32, #tpu.memory_space<vmem>>) dst(%dma_wait3A_237 : memref<128x128xf32, #tpu.memory_space<hbm>>)
    %dma_wait3A_241 = arith.constant 384 : i32
    %dma_wait3A_242 = arith.constant 0 : i32
    %dma_wait3A_243 = tpu.memref_slice %arg7[%dma_wait3A_241, %dma_wait3A_242] : memref<512x128xf32, #tpu.memory_space<vmem>> -> memref<128x128xf32, #tpu.memory_space<vmem>>
    %dma_wait3A_244 = arith.constant 0 : i32
    %dma_wait3A_245 = tpu.memref_slice %arg4[%add3A_200, %dma_wait3A_244] : memref<16384x256xf32, #tpu.memory_space<hbm>> -> memref<128x128xf32, #tpu.memory_space<hbm>>
    %dma_wait3A_246 = arith.constant 0 : i32
    %dma_wait3A_247 = tpu.memref_slice %arg4[%add3A_200, %dma_wait3A_246] : memref<16384x256xf32, #tpu.memory_space<hbm>> -> memref<128x128xf32, #tpu.memory_space<hbm>>
    %dma_wait3A_248 = arith.constant 384 : i32
    %dma_wait3A_249 = arith.constant 0 : i32
    %dma_wait3A_250 = tpu.memref_slice %arg7[%dma_wait3A_248, %dma_wait3A_249] : memref<512x128xf32, #tpu.memory_space<vmem>> -> memref<128x128xf32, #tpu.memory_space<vmem>>
    tpu.wait_dma2 semaphore(%arg10 : memref<!tpu.dma_semaphore, #tpu.memory_space<semaphore_mem>>) src(%dma_wait3A_250 : memref<128x128xf32, #tpu.memory_space<vmem>>) dst(%dma_wait3A_247 : memref<128x128xf32, #tpu.memory_space<hbm>>)
    return
  }
}

module attributes {stable_mosaic.version = 14 : i64} {
  func.func @_fill_body(%arg0: i32, %arg1: memref<16384x256xf32, #tpu.memory_space<any>>, %arg2: memref<8192x128xf32, #tpu.memory_space<vmem>>, %arg3: memref<8192x128xf32, #tpu.memory_space<vmem>>) attributes {dimension_semantics = [#tpu.dimension_semantics<arbitrary>], iteration_bounds = array<i64: 2>, scalar_prefetch = 0 : i64, scratch_operands = 0 : i64, tpu.core_type = #tpu.core_type<tc>, window_params = [{}, {transform_indices = @transform_1, window_bounds = array<i64: 8192, 128>}, {transform_indices = @transform_2, window_bounds = array<i64: 8192, 128>}]} {
    %get3A = arith.constant 0 : index
    %get3A_0 = arith.constant 0 : index
    %get3A_1 = vector.load %arg2[%get3A, %get3A_0] : memref<8192x128xf32, #tpu.memory_space<vmem>>, vector<8192x128xf32>
    %swap3A = arith.constant 0 : index
    %swap3A_2 = arith.constant 0 : index
    %swap3A_3 = vector.load %arg3[%swap3A, %swap3A_2] : memref<8192x128xf32, #tpu.memory_space<vmem>>, vector<8192x128xf32>
    tpu.vector_store %arg3[%swap3A, %swap3A_2], %get3A_1 {strides = array<i32>} : memref<8192x128xf32, #tpu.memory_space<vmem>>, vector<8192x128xf32>,
    return
  }
  func.func @transform_1(%arg0: i32) -> (i32, i32) {
    %c0_i32 = arith.constant 0 : i32
    %c0_i32_0 = arith.constant 0 : i32
    return %arg0, %c0_i32 : i32, i32
  }
  func.func @transform_2(%arg0: i32) -> (i32, i32) {
    %c1_i32 = arith.constant 1 : i32
    %c0_i32 = arith.constant 0 : i32
    return %arg0, %c1_i32 : i32, i32
  }
}

</mosaic_0001>

<sc_bundles>
// kernel: kernel.4.cloned.1.call-start
scs
__scs_entry_jumppad:
0x0: {  	(pc) =	sbr.rel $0x88, $3  }
0x1: {  	(tag) =	ssettag $0x0;
	lr =	simm.s32 $0x1  }
0x2: {  	[smem:$0x3F9E] =	sst lr;
	_ =	strace $0xD0000000  }
0x3: {  	_ = 	snop  }
0x4: {  	_ = 	snop  }
0x5: {  	_ = 	snop  }
0x6: {  	_ = 	snop  }
0x7: {  	_ = 	snop  }
__scs_overlays_trampoline_lowered:
0x8: {  	[smem:$0x3FAD] =	sst s0  }
0x9: {  	[smem:$0x3FAE] =	sst s1  }
0xa: {  	[smem:$0x3FAF] =	sst s2  }
0xb: {  	[smem:$0x3FB0] =	sst s3  }
0xc: {  	[smem:$0x3FB1] =	sst s4  }
0xd: {  	[smem:$0x3FB2] =	sst s5  }
0xe: {  	[smem:$0x3FB3] =	sst s6  }
0xf: {  	[smem:$0x3FB4] =	sst s7  }
0x10: {  	[smem:$0x3FB5] =	sst s8  }
0x11: {  	[smem:$0x3FB6] =	sst s9;
	s0 =	simm.s32 @!p0 $0x0  }
0x12: {  	s1 =	sld [smem:$0x3F9C];
	s0 =	simm.s32 @p0 $0x1  }
0x13: {  	[smem:$0x3FB7] =	sst s0;
	s0 =	simm.s32 @!p1 $0x0  }
0x14: {  	s2 =	sld [smem:$0x3F9B];
	s0 =	simm.s32 @p1 $0x1  }
0x15: {  	[smem:$0x3FB8] =	sst s0;
	s0 =	simm.s32 @!p2 $0x0  }
0x16: {  	s3 =	sld [smem:$0x3FDB];
	s0 =	simm.s32 @p2 $0x1  }
0x17: {  	s4 =	simm.s32 $0x1BF5;
	[smem:$0x3FBA] =	sst s0  }
0x18: {  	s0 =	sld [smem:$0x3F9D];
	_ =	swait.ge [sflag:s4], $0x0  }
0x19: {  	s7 =	sld [smem:$0x3F9E]  }
0x1a: {  	s8 =	sadd.s32 $0xFFFFE003, lr  }
0x1b: {  	s9 =	sadd.s32 $0xFFFFFEF7, lr;
	s5 =	simm.s32 $0xFFFFFFFF;
	p2 =	slt.u32 s8, $0xFFFFF086  }
0x1c: {  	p1 =	slt.u32 s9, $0xF7A;
	s5 =	simm.s32 @!p2 $0x0  }
0x1d: {  	s5 =	simm.s32 @p1 $0x1;
	p0 =	seq.s32 s7, s2  }
0x1e: {  	s7 =	smul.u32 @!p0 $0xF7A, s2;
	p2 =	seq.s32 @!p0 s5, $0x0  }
0x1f: {  	s9 =	smul.u32 $0xF7A, s1;
	s8 =	simm.s32 @!p0 $0x1BF5;
	p2 =	por !p2, p0  }
0x20: {  	[sflag:s8] =	ssyncset.s32 @!p0 $0xFFFFF086;
	s6 =	sadd.s32 @!p0 s3, s7;
	s7 =	simm.s32 @!p0 $0x108  }
0x21: {  	s3 =	sadd.s32 s3, s9;
	s6 =	sadd.s32 @!p0 $0x88, s6;
	s7 =	simm.s32 @p2 $0x1082  }
0x22: {  	[simem:s7], [sflag:s8] =	dma.local @!p0 [hbm:s6], $0xF7A  }
0x23: {  	s9 =	sor.u32 $0xD0000000, s2;
	s6 =	simm.s32 $0x108;
	_ =	swait.ge @!p0 [sflag:s8], $0x0  }
0x24: {  	s3 =	sadd.s32 $0x88, s3;
	s6 =	simm.s32 @!p1 $0x1082;
	[sflag:s4] =	ssyncset.s32 $0xFFFFF086  }
0x25: {  	[simem:s6], [sflag:s4] =	dma.local [hbm:s3], $0xF7A  }
0x26: {  	[smem:$0x3F9E] =	sst s1;
	(tag) =	ssettag s2;
	_ =	strace s9  }
0x27: {  	s1 =	sld [smem:$0x3FAE]  }
0x28: {  	s2 =	sld [smem:$0x3FAF]  }
0x29: {  	s4 =	sld [smem:$0x3FB1]  }
0x2a: {  	p0 =	seq.s32 s5, $0x0;
	s5 =	sld [smem:$0x3FB2]  }
0x2b: {  	s6 =	sld [smem:$0x3FB3]  }
0x2c: {  	s7 =	sld [smem:$0x3FB4]  }
0x2d: {  	s3 =	simm.s32 $0x108;
	s8 =	sld [smem:$0x3FB5]  }
0x2e: {  	s3 =	simm.s32 @!p0 $0x1082;
	s9 =	sld [smem:$0x3FB6]  }
0x2f: {  	lr =	sadd.s32 s0, s3;
	s0 =	sld [smem:$0x3FAD]  }
0x30: {  	s3 =	sld [smem:$0x3FB0]  }
0x31: {  	[smem:$0x3FB9] =	sst s10  }
0x32: {  	s10 =	sld [smem:$0x3FB7];
	_ =	sdelay $0x3  }
0x33: {  	p0 =	seq.s32 s10, $0x1;
	s10 =	sld [smem:$0x3FB9];
	_ =	sdelay $0x3  }
0x34: {  	[smem:$0x3FB9] =	sst s10  }
0x35: {  	s10 =	sld [smem:$0x3FB8];
	_ =	sdelay $0x3  }
0x36: {  	p1 =	seq.s32 s10, $0x1;
	s10 =	sld [smem:$0x3FB9];
	_ =	sdelay $0x3  }
0x37: {  	[smem:$0x3FB9] =	sst s10  }
0x38: {  	s10 =	sld [smem:$0x3FBA]  }
0x39: {  	_ = 	snop;
	(pc) =	sbr.ind lr, $3  }
0x3a: {  	_ = 	snop  }
0x3b: {  	_ = 	snop  }
0x3c: {  	p2 =	seq.s32 s10, $0x1;
	s10 =	sld [smem:$0x3FB9]  }
0x3d: {  	_ =	shalt  }
0x3e: {  	_ =	shalt  }
0x3f: {  	_ =	shalt  }
0x40: {  	_ =	shalt  }
0x41: {  	_ =	shalt  }
0x42: {  	_ =	shalt  }
0x43: {  	_ =	shalt  }
0x44: {  	_ =	shalt  }
0x45: {  	_ =	shalt  }
0x46: {  	_ =	shalt  }
0x47: {  	_ =	shalt  }
0x48: {  	_ =	shalt  }
0x49: {  	_ =	shalt  }
0x4a: {  	_ =	shalt  }
0x4b: {  	_ =	shalt  }
0x4c: {  	_ =	shalt  }
0x4d: {  	_ =	shalt  }
0x4e: {  	_ =	shalt  }
0x4f: {  	_ =	shalt  }
0x50: {  	_ =	shalt  }
0x51: {  	_ =	shalt  }
0x52: {  	_ =	shalt  }
0x53: {  	_ =	shalt  }
0x54: {  	_ =	shalt  }
0x55: {  	_ =	shalt  }
0x56: {  	_ =	shalt  }
0x57: {  	_ =	shalt  }
0x58: {  	_ =	shalt  }
0x59: {  	_ =	shalt  }
0x5a: {  	_ =	shalt  }
0x5b: {  	_ =	shalt  }
0x5c: {  	_ =	shalt  }
0x5d: {  	_ =	shalt  }
0x5e: {  	_ =	shalt  }
0x5f: {  	_ =	shalt  }
0x60: {  	_ =	shalt  }
0x61: {  	_ =	shalt  }
0x62: {  	_ =	shalt  }
0x63: {  	_ =	shalt  }
0x64: {  	_ =	shalt  }
0x65: {  	_ =	shalt  }
0x66: {  	_ =	shalt  }
0x67: {  	_ =	shalt  }
0x68: {  	_ =	shalt  }
0x69: {  	_ =	shalt  }
0x6a: {  	_ =	shalt  }
0x6b: {  	_ =	shalt  }
0x6c: {  	_ =	shalt  }
0x6d: {  	_ =	shalt  }
0x6e: {  	_ =	shalt  }
0x6f: {  	_ =	shalt  }
0x70: {  	_ =	shalt  }
0x71: {  	_ =	shalt  }
0x72: {  	_ =	shalt  }
0x73: {  	_ =	shalt  }
0x74: {  	_ =	shalt  }
0x75: {  	_ =	shalt  }
0x76: {  	_ =	shalt  }
0x77: {  	_ =	shalt  }
0x78: {  	_ =	shalt  }
0x79: {  	_ =	shalt  }
0x7a: {  	_ =	shalt  }
0x7b: {  	_ =	shalt  }
0x7c: {  	_ =	shalt  }
0x7d: {  	_ =	shalt  }
0x7e: {  	_ =	shalt  }
0x7f: {  	_ =	shalt  }
0x80: {  	_ =	shalt  }
0x81: {  	_ =	shalt  }
0x82: {  	_ =	shalt  }
0x83: {  	_ =	shalt  }
0x84: {  	_ =	shalt  }
0x85: {  	_ =	shalt  }
0x86: {  	_ =	shalt  }
0x87: {  	_ =	shalt  }
.Lfunc_end0:
.L_simem_size_0:
called_computation_lowered:
.L_overlay_start_0:
0x88: {  	s2 =	sld [smem:$0x3FD9]  }
0x89: {  	s3 =	sld [smem:$0x3FFE];
	_ =	sdelay $0x1  }
0x8a: {  	s1 =	srdreg.scid  }
0x8b: {  	s0 =	sand.u32 $0x1, s1  }
0x8c: {  	s18 =	sshll.u32 s0, $0xA;
	s2 =	sadd.s32 s3, s2  }
0x8d: {  	s2 =	sadd.s32 s2, s18  }
0x8e: {  	[smem:$0x3FC5] =	sst s2  }
0x8f: {  	_ = 	snop  }
0x90: {  	s2 =	sld [smem:$0x3FC9]  }
0x91: {  	s19 =	sld [smem:$0x3FC7]  }
0x92: {  	s4 =	sld [smem:$0x3FD0];
	(tm) =	ssettm $0x1  }
0x93: {  	s5 =	sld [smem:$0x3FFB];
	_ =	sdelay $0x3  }
0x94: {  	_ =	strace s5  }
0x95: {  	s5 =	sld [smem:$0x3FFC];
	_ =	sdelay $0x3  }
0x96: {  	_ =	strace s5  }
0x97: {  	s5 =	sld [smem:$0x3FFD];
	_ =	sdelay $0x3  }
0x98: {  	_ =	strace s5  }
0x99: {  	_ =	strace $0x8FFFFFFF  }
0x9a: {  	s20 =	sld [smem:$0x3FDB];
	_ =	sdelay $0x1  }
0x9b: {  	s6 =	simm.s32 $_scs_section_size  }
0x9c: {  	s7 =	simm.s32 $_size__tile_overlayer_lowered;
	s8 =	simm.s32 $_tile_overlayer_lowered  }
0x9d: {  	s23 =	simm.s32 $0x1BFF;
	s22 =	sshll.u32 s8, $0x1;
	s5 =	sadd.s32 s6, s20  }
0x9e: {  	s9 =	simm.s32 $0x0;
	s21 =	sshll.u32 s7, $0x1;
	s7 =	sadd.s32 s22, s5  }
0x9f: {  	[timem:s9], [sflag:s23] =	dma.local [hbm:s7], s21  }
0xa0: {  	_ =	swait.ge [sflag:s23], s21  }
0xa1: {  	s6 =	ssub.s32 $0x0, s21;
	[sflag:s23] =	ssyncset.done $0x0  }
0xa2: {  	[sflag:s23] =	ssyncadd.s32 s6;
	_ =	sdelay $0x1  }
0xa3: {  	s24 =	simm.s32 $0x1B8B  }
0xa4: {  	_ =	swait.ge [sflag:s24], $0x1  }
0xa5: {  	[sflag:s24] =	ssyncset.done $0x0  }
0xa6: {  	s25 =	simm.s32 $0x1B8E;
	[sflag:s24] =	ssyncadd.s32 $0xFFFFFFFF  }
0xa7: {  	s26 =	simm.s32 $execute0_lowered;
	[smem:$0x3FD2] =	sst s25  }
0xa8: {  	s6 =	sshll.u32 s26, $0x1;
	_ =	strace $0x80000046;
	[dreg:$0x1] =	wrdreg $0xFFFFFFFF  }
0xa9: {  	s28 =	simm.s32 $_size_execute0_lowered;
	s5 =	sadd.s32 s5, s6;
	[dreg:$0x0] =	wrdreg $0x0  }
0xaa: {  	s6 =	sshll.u32 s28, $0x1;
	[dreg:$0x2] =	wrdreg s5  }
0xab: {  	[dreg:$0x3] =	wrdreg s6  }
0xac: {  	[dreg:$0x4] =	wrdreg $0xC0  }
0xad: {  	_ =	task [dreg:s9], $0x5FFFF  }
0xae: {  	[dreg:$0x1] =	wrdreg $0xFFFFFFFF  }
0xaf: {  	[dreg:$0x0] =	wrdreg $0x60  }
0xb0: {  	[dreg:$0x2] =	wrdreg s2  }
0xb1: {  	[dreg:$0x3] =	wrdreg s19  }
0xb2: {  	[dreg:$0x4] =	wrdreg s4  }
0xb3: {  	[dreg:$0x5] =	wrdreg $0x0  }
0xb4: {  	[dreg:$0x6] =	wrdreg $0x9  }
0xb5: {  	_ =	task.clear_ibuf [dreg:s9], $0x7FFFF;
	_ =	strace $0x90000046  }
0xb6: {  	s29 =	simm.s32 $0x9;
	_ =	strace $0x80000048  }
0xb7: {  	_ =	swait.ge [sflag:s29], $0x1  }
0xb8: {  	[sflag:s29] =	ssyncadd.s32 $0xFFFFFFFF  }
0xb9: {  	_ =	strace $0x90000048  }
0xba: {  	_ =	sfence  }
0xbb: {  	s30 =	sld [smem:$0x0];
	_ =	sdelay $0x2  }
0xbc: {  	s31 =	sshll.u32 s1, $0xD;
	s1 =	sshrl.u32 s1, $0x2  }
0xbd: {  	s3 =	sand.u32 $0x4000, s31;
	s1 =	sadd.s32 s1, s30  }
0xbe: {  	s0 =	sor.u32 s3, s0;
	s1 =	sshll.u32 s1, $0x11  }
0xbf: {  	s0 =	sor.u32 s1, s0  }
0xc0: {  	s0 =	sadd.s32 $0x8F2B, s0  }
0xc1: {  	[sflag:s0] =	ssyncadd.remote.s32 $0x1  }
0xc2: {  	_ =	sfence.sel $0xFFFF  }
0xc3: {  	[dreg:$0x0] =	wrdreg $0xFFFFFFFF;
	(pc) =	sbr.abs _section_cstart, $3  }
0xc4: {  	[dreg:$0x1] =	wrdreg $0xFFFFFFFF  }
0xc5: {  	_ =	task.clear_ibuf [dreg:s9], $0x2FFFF;
	_ =	strace $0x9FFFFFFF  }
0xc6: {  	(tm) =	ssettm $0x7FFFFFFF  }
0xc7: {  	_ =	shalt  }
tec
execute0_lowered:
.L_overlay_start_1:
0x0: {  	(tag) =	ssettag $0x1  }
0x1: {  	s2 =	rddreg [dreg:$0x0]  }
0x2: {  	s7 =	rddreg [dreg:$0x1]  }
0x3: {  	s8 =	rddreg [dreg:$0x2]  }
0x4: {  	s1 =	rddreg [dreg:$0x3]  }
0x5: {  	s3 =	srdreg.scid;
	s0 =	rddreg [dreg:$0x4]  }
0x6: {  	s9 =	stileid.u32;
	s6 =	simm.s32 $0x0;
	s16 =	simm.s32 $0x2D0  }
0x7: {  	p1 =	por $0x0, $0x0;
	s15 =	simm.s32 $0x800;
	s3 =	sand.u32 $0x1, s3  }
0x8: {  	s4 =	sshll.u32 s9, $0xA;
	[smem:$0x7FF] =	sst s6;
	p0 =	sne.s32 s9, $0x0  }
0x9: {  	s9 =	simm.s32 $0xC2D0;
	s5 =	sshll.u32 s3, $0x9;
	s3 =	ssub.s32 $0x2, s3  }
0xa: {  	_ =	strace $0x80000047;
	s4 =	sor.u32 s5, s4;
	s18 =	sshrl.u32 s3, $0x1  }
0xb: {  	s10 =	sshrl.u32 s4, $0x3;
	s11 =	ssub.s32 s3, s18;
	s19 =	sor.u32 $0x80, s4  }
0xc: {  	s21 =	sor.u32 $0x100, s4;
	s12 =	sor.u32 $0x180, s4;
	s25 =	sshll.u32 s4, $0x5  }
0xd: {  	s18 =	simm.s32 $0xD0;
	s13 =	sadd.s32 s2, s10;
	s20 =	sshrl.u32 s19, $0x3  }
0xe: {  	s24 =	sshrl.u32 s21, $0x3;
	s14 =	sshrl.u32 s12, $0x3;
	s5 =	sadd.s32 s8, s25  }
0xf: {  	s26 =	sshll.u32 s19, $0x5;
	s28 =	sshll.u32 s21, $0x5;
	s31 =	smax.u32 s11, $0x1  }
0x10: {  	s29 =	sshll.u32 s12, $0x5;
	s19 =	simm.s32 $0x150;
	s30 =	sadd.s32 $0xFFFFFFFF, s31  }
0x11: {  	s21 =	simm.s32 $0x250;
	s25 =	simm.s32 $0x1;
	p2 =	sne.s32 s30, $0x0  }
.Ltmp0:
0x12: {  	s10 =	simm.s32 $0x82D0;
	s11 =	simm.s32 $0x2;
	(pc) =	sbr.rel @!p2 .LBB2_3-.Ltmp0, $4  }
0x13: {  	s12 =	simm.s32 $0x400;
	s17 =	sadd.s32 s2, s20;
	s22 =	sadd.s32 s2, s24  }
0x14: {  	s23 =	sadd.s32 s2, s14;
	s4 =	sadd.s32 s8, s26;
	s3 =	sadd.s32 s8, s28  }
0x15: {  	s2 =	sadd.s32 s8, s29;
	s26 =	sshrl.u32 @!p0 s1, $0x3;
	s20 =	simm.s32 $0x1D0  }
0x16: {  	s24 =	simm.s32 $0x80;
	s14 =	simm.s32 $0x42D0;
	s8 =	simm.s32 $0x3  }
0x17: {  	s28 =	simm.s32 @!p0 $0x1C02;
	s29 =	simm.s32 @!p0 $0x2  }
0x18: {  	[spmem:s26], [sflag:s28] =	dma.local @!p0 [hbm:s7], $0x1A0  }
0x19: {  	_ =	swait.ge @!p0 [sflag:s29], $0x1A0  }
0x1a: {  	[sflag:s29] =	ssyncset.done @!p0 $0x0  }
0x1b: {  	[sflag:s29] =	ssyncadd.s32 @!p0 $0xFFFFFE60  }
0x1c: {  	[tilespmem:s18], [sflag:$0x1] =	stream.linear.gather [hbm4b:s13+s6], $0x80, $0x38;
	[tilespmem:$0x102D0] =	vst v63  }
0x1d: {  	_ = 	snop  }
0x1e: {  	[tilespmem:s19], [sflag:$0x1] =	stream.linear.gather [hbm4b:s17+s6], $0x80, $0x38;
	[tilespmem:$0x102D0] =	vst v63  }
0x1f: {  	_ = 	snop  }
0x20: {  	[tilespmem:s20], [sflag:$0x1] =	stream.linear.gather [hbm4b:s22+s6], $0x80, $0x38;
	[tilespmem:$0x102D0] =	vst v63  }
0x21: {  	_ = 	snop  }
0x22: {  	[tilespmem:s21], [sflag:$0x1] =	stream.linear.gather [hbm4b:s23+s6], $0x80, $0x38;
	[tilespmem:$0x102D0] =	vst v63  }
0x23: {  	_ =	swait.ge [sflag:s25], $0x80  }
0x24: {  	[sflag:s25] =	ssyncset.done $0x0  }
0x25: {  	[sflag:s25] =	ssyncadd.s32 $0xFFFFFF80  }
0x26: {  	_ =	swait.ge [sflag:s25], $0x80  }
0x27: {  	[sflag:s25] =	ssyncset.done $0x0  }
0x28: {  	[sflag:s25] =	ssyncadd.s32 $0xFFFFFF80  }
0x29: {  	_ =	swait.ge [sflag:s25], $0x80  }
0x2a: {  	[sflag:s25] =	ssyncset.done $0x0  }
0x2b: {  	[sflag:s25] =	ssyncadd.s32 $0xFFFFFF80  }
0x2c: {  	_ =	swait.ge [sflag:s25], $0x80  }
0x2d: {  	[sflag:s25] =	ssyncset.done $0x0  }
0x2e: {  	[sflag:s25] =	ssyncadd.s32 $0xFFFFFF80  }
0x2f: {  	[bflag:$0x0] =	sbarrier.arrive $0xFFFF  }
0x30: {  	[tilespmem:s16], [sflag:$0x2] =	stream.indirect.gather [spmem:s1], $0x80, s18, s24, $0xb8;
	[tilespmem:$0x102D0] =	vst v63  }
0x31: {  	_ = 	snop  }
0x32: {  	[tilespmem:s14], [sflag:$0x2] =	stream.indirect.gather [spmem:s1], $0x80, s19, s24, $0xb8;
	[tilespmem:$0x102D0] =	vst v63  }
0x33: {  	_ = 	snop  }
0x34: {  	[tilespmem:s10], [sflag:$0x2] =	stream.indirect.gather [spmem:s1], $0x80, s20, s24, $0xb8;
	[tilespmem:$0x102D0] =	vst v63  }
0x35: {  	_ = 	snop  }
0x36: {  	[tilespmem:s9], [sflag:$0x2] =	stream.indirect.gather [spmem:s1], $0x80, s21, s24, $0xb8;
	[tilespmem:$0x102D0] =	vst v63  }
0x37: {  	_ =	swait.ge [sflag:s11], $0x4000  }
0x38: {  	[sflag:s11] =	ssyncset.done $0x0  }
0x39: {  	[sflag:s11] =	ssyncadd.s32 $0xFFFFC000  }
0x3a: {  	[hbm4b:s5+s12] =	stream.strided.scatter [tilespmem:s16], [sflag:$0x3], $0x4000, s15, s12, $0x38;
	[tilespmem:$0x102D0] =	vst v63  }
0x3b: {  	_ =	swait.ge [sflag:s11], $0x4000  }
0x3c: {  	[sflag:s11] =	ssyncset.done $0x0  }
0x3d: {  	[sflag:s11] =	ssyncadd.s32 $0xFFFFC000  }
0x3e: {  	[hbm4b:s4+s12] =	stream.strided.scatter [tilespmem:s14], [sflag:$0x3], $0x4000, s15, s12, $0x38;
	[tilespmem:$0x102D0] =	vst v63  }
0x3f: {  	_ =	swait.ge [sflag:s11], $0x4000  }
0x40: {  	[sflag:s11] =	ssyncset.done $0x0  }
0x41: {  	[sflag:s11] =	ssyncadd.s32 $0xFFFFC000  }
0x42: {  	[hbm4b:s3+s12] =	stream.strided.scatter [tilespmem:s10], [sflag:$0x3], $0x4000, s15, s12, $0x38;
	[tilespmem:$0x102D0] =	vst v63  }
0x43: {  	_ =	swait.ge [sflag:s11], $0x4000  }
0x44: {  	[sflag:s11] =	ssyncset.done $0x0  }
0x45: {  	[sflag:s11] =	ssyncadd.s32 $0xFFFFC000  }
0x46: {  	[hbm4b:s2+s12] =	stream.strided.scatter [tilespmem:s9], [sflag:$0x3], $0x4000, s15, s12, $0x38;
	[tilespmem:$0x102D0] =	vst v63  }
0x47: {  	_ =	swait.ge [sflag:s8], $0x4000  }
0x48: {  	[sflag:s8] =	ssyncset.done $0x0  }
0x49: {  	[sflag:s8] =	ssyncadd.s32 $0xFFFFC000  }
0x4a: {  	_ =	swait.ge [sflag:s8], $0x4000  }
0x4b: {  	s30 =	sadd.s32 $0xFFFFFFFF, s30;
	[sflag:s8] =	ssyncset.done $0x0  }
0x4c: {  	p2 =	sne.s32 s30, $0x0;
	[sflag:s8] =	ssyncadd.s32 $0xFFFFC000  }
.Ltmp1:
0x4d: {  	_ =	swait.ge [sflag:s8], $0x4000;
	(pc) =	sbr.rel @!p2 .LBB2_3-.Ltmp1, $4  }
0x4e: {  	[sflag:s8] =	ssyncset.done $0x0  }
0x4f: {  	[sflag:s8] =	ssyncadd.s32 $0xFFFFC000  }
0x50: {  	_ =	swait.ge [sflag:s8], $0x4000  }
0x51: {  	p1 =	por $0x1, $0x1;
	[sflag:s8] =	ssyncset.done $0x0  }
.LBB2_2:
0x52: {  	[sflag:s8] =	ssyncadd.s32 $0xFFFFC000  }
0x53: {  	[spmem:s26], [sflag:s28] =	dma.local @!p0 [hbm:s7], $0x1A0  }
0x54: {  	s30 =	sadd.s32 $0xFFFFFFFF, s30;
	_ =	swait.ge @!p0 [sflag:s29], $0x1A0  }
0x55: {  	p2 =	sne.s32 s30, $0x0;
	[sflag:s29] =	ssyncset.done @!p0 $0x0  }
0x56: {  	[sflag:s29] =	ssyncadd.s32 @!p0 $0xFFFFFE60  }
0x57: {  	[tilespmem:s18], [sflag:$0x1] =	stream.linear.gather [hbm4b:s13+s6], $0x80, $0x38;
	[tilespmem:$0x102D0] =	vst v63  }
0x58: {  	_ = 	snop  }
0x59: {  	[tilespmem:s19], [sflag:$0x1] =	stream.linear.gather [hbm4b:s17+s6], $0x80, $0x38;
	[tilespmem:$0x102D0] =	vst v63  }
0x5a: {  	_ = 	snop  }
0x5b: {  	[tilespmem:s20], [sflag:$0x1] =	stream.linear.gather [hbm4b:s22+s6], $0x80, $0x38;
	[tilespmem:$0x102D0] =	vst v63  }
0x5c: {  	_ = 	snop  }
0x5d: {  	[tilespmem:s21], [sflag:$0x1] =	stream.linear.gather [hbm4b:s23+s6], $0x80, $0x38;
	[tilespmem:$0x102D0] =	vst v63  }
0x5e: {  	_ =	swait.ge [sflag:s25], $0x80  }
0x5f: {  	[sflag:s25] =	ssyncset.done $0x0  }
0x60: {  	[sflag:s25] =	ssyncadd.s32 $0xFFFFFF80  }
0x61: {  	_ =	swait.ge [sflag:s25], $0x80  }
0x62: {  	[sflag:s25] =	ssyncset.done $0x0  }
0x63: {  	[sflag:s25] =	ssyncadd.s32 $0xFFFFFF80  }
0x64: {  	_ =	swait.ge [sflag:s25], $0x80  }
0x65: {  	[sflag:s25] =	ssyncset.done $0x0  }
0x66: {  	[sflag:s25] =	ssyncadd.s32 $0xFFFFFF80  }
0x67: {  	_ =	swait.ge [sflag:s25], $0x80  }
0x68: {  	[sflag:s25] =	ssyncset.done $0x0  }
0x69: {  	[sflag:s25] =	ssyncadd.s32 $0xFFFFFF80  }
0x6a: {  	[bflag:$0x0] =	sbarrier.arrive $0xFFFF  }
0x6b: {  	[tilespmem:s16], [sflag:$0x2] =	stream.indirect.gather [spmem:s1], $0x80, s18, s24, $0xb8;
	[tilespmem:$0x102D0] =	vst v63  }
0x6c: {  	_ = 	snop  }
0x6d: {  	[tilespmem:s14], [sflag:$0x2] =	stream.indirect.gather [spmem:s1], $0x80, s19, s24, $0xb8;
	[tilespmem:$0x102D0] =	vst v63  }
0x6e: {  	_ = 	snop  }
0x6f: {  	[tilespmem:s10], [sflag:$0x2] =	stream.indirect.gather [spmem:s1], $0x80, s20, s24, $0xb8;
	[tilespmem:$0x102D0] =	vst v63  }
0x70: {  	_ = 	snop  }
0x71: {  	[tilespmem:s9], [sflag:$0x2] =	stream.indirect.gather [spmem:s1], $0x80, s21, s24, $0xb8;
	[tilespmem:$0x102D0] =	vst v63  }
0x72: {  	_ =	swait.ge [sflag:s11], $0x4000  }
0x73: {  	[sflag:s11] =	ssyncset.done $0x0  }
0x74: {  	[sflag:s11] =	ssyncadd.s32 $0xFFFFC000  }
0x75: {  	[hbm4b:s5+s12] =	stream.strided.scatter [tilespmem:s16], [sflag:$0x3], $0x4000, s15, s12, $0x38;
	[tilespmem:$0x102D0] =	vst v63  }
0x76: {  	_ =	swait.ge [sflag:s11], $0x4000  }
0x77: {  	[sflag:s11] =	ssyncset.done $0x0  }
0x78: {  	[sflag:s11] =	ssyncadd.s32 $0xFFFFC000  }
0x79: {  	[hbm4b:s4+s12] =	stream.strided.scatter [tilespmem:s14], [sflag:$0x3], $0x4000, s15, s12, $0x38;
	[tilespmem:$0x102D0] =	vst v63  }
0x7a: {  	_ =	swait.ge [sflag:s11], $0x4000  }
0x7b: {  	[sflag:s11] =	ssyncset.done $0x0  }
0x7c: {  	[sflag:s11] =	ssyncadd.s32 $0xFFFFC000  }
0x7d: {  	[hbm4b:s3+s12] =	stream.strided.scatter [tilespmem:s10], [sflag:$0x3], $0x4000, s15, s12, $0x38;
	[tilespmem:$0x102D0] =	vst v63  }
0x7e: {  	_ =	swait.ge [sflag:s11], $0x4000  }
0x7f: {  	[sflag:s11] =	ssyncset.done $0x0  }
0x80: {  	[sflag:s11] =	ssyncadd.s32 $0xFFFFC000  }
0x81: {  	[hbm4b:s2+s12] =	stream.strided.scatter [tilespmem:s9], [sflag:$0x3], $0x4000, s15, s12, $0x38;
	[tilespmem:$0x102D0] =	vst v63  }
0x82: {  	_ =	swait.ge [sflag:s8], $0x4000  }
0x83: {  	[sflag:s8] =	ssyncset.done $0x0  }
0x84: {  	[sflag:s8] =	ssyncadd.s32 $0xFFFFC000  }
0x85: {  	_ =	swait.ge [sflag:s8], $0x4000  }
0x86: {  	[sflag:s8] =	ssyncset.done $0x0  }
0x87: {  	[sflag:s8] =	ssyncadd.s32 $0xFFFFC000  }
.Ltmp2:
0x88: {  	_ =	swait.ge [sflag:s8], $0x4000;
	(pc) =	sbr.rel @p2 .LBB2_2-.Ltmp2, $4  }
0x89: {  	[sflag:s8] =	ssyncset.done $0x0  }
0x8a: {  	[sflag:s8] =	ssyncadd.s32 $0xFFFFC000  }
0x8b: {  	_ =	swait.ge [sflag:s8], $0x4000  }
0x8c: {  	[sflag:s8] =	ssyncset.done $0x0  }
.LBB2_3:
0x8d: {  	[sflag:s8] =	ssyncadd.s32 @p1 $0xFFFFC000;
	s28 =	simm.s32 @!p0 $0x1C02  }
0x8e: {  	[spmem:s26], [sflag:s28] =	dma.local @!p0 [hbm:s7], $0x1A0  }
0x8f: {  	s7 =	simm.s32 @!p0 $0x2  }
0x90: {  	_ =	swait.ge @!p0 [sflag:s7], $0x1A0  }
0x91: {  	[sflag:s7] =	ssyncset.done @!p0 $0x0  }
0x92: {  	[sflag:s7] =	ssyncadd.s32 @!p0 $0xFFFFFE60  }
0x93: {  	[tilespmem:s18], [sflag:$0x1] =	stream.linear.gather [hbm4b:s13+s6], $0x80, $0x38;
	[tilespmem:$0x102D0] =	vst v63  }
0x94: {  	_ = 	snop  }
0x95: {  	[tilespmem:s19], [sflag:$0x1] =	stream.linear.gather [hbm4b:s17+s6], $0x80, $0x38;
	[tilespmem:$0x102D0] =	vst v63  }
0x96: {  	_ = 	snop  }
0x97: {  	[tilespmem:s20], [sflag:$0x1] =	stream.linear.gather [hbm4b:s22+s6], $0x80, $0x38;
	[tilespmem:$0x102D0] =	vst v63  }
0x98: {  	_ = 	snop  }
0x99: {  	[tilespmem:s21], [sflag:$0x1] =	stream.linear.gather [hbm4b:s23+s6], $0x80, $0x38;
	[tilespmem:$0x102D0] =	vst v63  }
0x9a: {  	_ =	swait.ge [sflag:s25], $0x80  }
0x9b: {  	[sflag:s25] =	ssyncset.done $0x0  }
0x9c: {  	[sflag:s25] =	ssyncadd.s32 $0xFFFFFF80  }
0x9d: {  	_ =	swait.ge [sflag:s25], $0x80  }
0x9e: {  	[sflag:s25] =	ssyncset.done $0x0  }
0x9f: {  	[sflag:s25] =	ssyncadd.s32 $0xFFFFFF80  }
0xa0: {  	_ =	swait.ge [sflag:s25], $0x80  }
0xa1: {  	[sflag:s25] =	ssyncset.done $0x0  }
0xa2: {  	[sflag:s25] =	ssyncadd.s32 $0xFFFFFF80  }
0xa3: {  	_ =	swait.ge [sflag:s25], $0x80  }
0xa4: {  	[sflag:s25] =	ssyncset.done $0x0  }
0xa5: {  	[sflag:s25] =	ssyncadd.s32 $0xFFFFFF80  }
0xa6: {  	[bflag:$0x0] =	sbarrier.arrive $0xFFFF  }
0xa7: {  	[tilespmem:s16], [sflag:$0x2] =	stream.indirect.gather [spmem:s1], $0x80, s18, s24, $0xb8;
	[tilespmem:$0x102D0] =	vst v63  }
0xa8: {  	_ = 	snop  }
0xa9: {  	[tilespmem:s14], [sflag:$0x2] =	stream.indirect.gather [spmem:s1], $0x80, s19, s24, $0xb8;
	[tilespmem:$0x102D0] =	vst v63  }
0xaa: {  	_ = 	snop  }
0xab: {  	[tilespmem:s10], [sflag:$0x2] =	stream.indirect.gather [spmem:s1], $0x80, s20, s24, $0xb8;
	[tilespmem:$0x102D0] =	vst v63  }
0xac: {  	_ = 	snop  }
0xad: {  	[tilespmem:s9], [sflag:$0x2] =	stream.indirect.gather [spmem:s1], $0x80, s21, s24, $0xb8;
	[tilespmem:$0x102D0] =	vst v63  }
0xae: {  	_ =	swait.ge [sflag:s11], $0x4000  }
0xaf: {  	[sflag:s11] =	ssyncset.done $0x0  }
0xb0: {  	[sflag:s11] =	ssyncadd.s32 $0xFFFFC000  }
0xb1: {  	[hbm4b:s5+s12] =	stream.strided.scatter [tilespmem:s16], [sflag:$0x3], $0x4000, s15, s12, $0x38;
	[tilespmem:$0x102D0] =	vst v63  }
0xb2: {  	_ =	swait.ge [sflag:s11], $0x4000  }
0xb3: {  	[sflag:s11] =	ssyncset.done $0x0  }
0xb4: {  	[sflag:s11] =	ssyncadd.s32 $0xFFFFC000  }
0xb5: {  	[hbm4b:s4+s12] =	stream.strided.scatter [tilespmem:s14], [sflag:$0x3], $0x4000, s15, s12, $0x38;
	[tilespmem:$0x102D0] =	vst v63  }
0xb6: {  	_ =	swait.ge [sflag:s11], $0x4000  }
0xb7: {  	[sflag:s11] =	ssyncset.done $0x0  }
0xb8: {  	[sflag:s11] =	ssyncadd.s32 $0xFFFFC000  }
0xb9: {  	[hbm4b:s3+s12] =	stream.strided.scatter [tilespmem:s10], [sflag:$0x3], $0x4000, s15, s12, $0x38;
	[tilespmem:$0x102D0] =	vst v63  }
0xba: {  	_ =	swait.ge [sflag:s11], $0x4000  }
0xbb: {  	[sflag:s11] =	ssyncset.done $0x0  }
0xbc: {  	[sflag:s11] =	ssyncadd.s32 $0xFFFFC000  }
0xbd: {  	[hbm4b:s2+s12] =	stream.strided.scatter [tilespmem:s9], [sflag:$0x3], $0x4000, s15, s12, $0x38;
	[tilespmem:$0x102D0] =	vst v63  }
0xbe: {  	_ =	swait.ge [sflag:s8], $0x4000  }
0xbf: {  	[sflag:s8] =	ssyncset.done $0x0  }
0xc0: {  	[sflag:s8] =	ssyncadd.s32 $0xFFFFC000  }
0xc1: {  	_ =	swait.ge [sflag:s8], $0x4000  }
0xc2: {  	[sflag:s8] =	ssyncset.done $0x0  }
0xc3: {  	[sflag:s8] =	ssyncadd.s32 $0xFFFFC000  }
0xc4: {  	_ =	swait.ge [sflag:s8], $0x4000  }
0xc5: {  	[sflag:s8] =	ssyncset.done $0x0  }
0xc6: {  	[sflag:s8] =	ssyncadd.s32 $0xFFFFC000  }
0xc7: {  	_ =	swait.ge [sflag:s8], $0x4000  }
0xc8: {  	[sflag:s8] =	ssyncset.done $0x0  }
0xc9: {  	[sflag:s8] =	ssyncadd.s32 $0xFFFFC000  }
0xca: {  	_ =	sfence.sel $0x180000  }
0xcb: {  	[bflag:$0x0] =	sbarrier.arrive $0xFFFF  }
0xcc: {  	_ =	strace $0x90000047  }
0xcd: {  	s0 =	sadd.s32 @!p0 $0x100000, s0;
	[bflag:$0x2] =	sbarrier.arrive $0xFFFF  }
0xce: {  	[sflag:s0] =	ssyncadd.tile.s32 @!p0 $0x1;
	_ =	shalt  }
.Lfunc_end2:
_tile_overlayer_lowered:
.L_overlay_start_2:
0xcf: {  	(tag) =	ssettag $0x2  }
0xd0: {  	s0 =	rddreg [dreg:$0x0];
	s2 =	stileid.u32  }
0xd1: {  	s1 =	rddreg [dreg:$0x1];
	p0 =	sne.s32 s2, $0x0  }
0xd2: {  	s3 =	rddreg [dreg:$0x2];
	[bflag:$0x3] =	sbarrier.arrive $0xFFFF;
	s2 =	simm.s32 @!p0 $0x1C04  }
0xd3: {  	[timem:s3], [sflag:s2] =	dma.local @!p0 [hbm:s0], s1  }
0xd4: {  	s0 =	simm.s32 @!p0 $0x4  }
0xd5: {  	_ =	swait.ge @!p0 [sflag:s0], s1  }
0xd6: {  	s1 =	ssub.s32 @!p0 $0x0, s1;
	[sflag:s0] =	ssyncset.done @!p0 $0x0  }
0xd7: {  	[sflag:s0] =	ssyncadd.s32 @!p0 s1  }
0xd8: {  	[bflag:$0x3] =	sbarrier.arrive $0xFFFF  }
0xd9: {  	_ =	shalt  }

</sc_bundles>
